<compile_context>
chip_gen: v7x
topology: tpu7x:2x2x1
jax: 0.10.2.dev20260603
libtpu: 0.0.44.dev20260713+nightly
codegen_flags: <defaults>
</compile_context>

<pallas_src>
import jax
import jax.numpy as jnp
from jax import lax
from jax.experimental import pallas as pl
from jax.experimental.pallas import tpu as pltpu
from jax.experimental.pallas import tpu_sc as plsc

EMBED = 128
N_EDGES = 320000
NROWS = 16
NC = 2
NS = 16
NW = NC * NS
PER_W = N_EDGES // NW
BLK = 16
CHR = 80
BPC = CHR // BLK
NCHUNK = PER_W // CHR
CW = CHR * EMBED


def _tec_body(table_hbm, idx_hbm, out_hbm, tab_v, idx_v, rv, wsem):
    wid = lax.axis_index("s") * NC + lax.axis_index("c")
    pltpu.sync_copy(table_hbm, tab_v)
    pltpu.sync_copy(idx_hbm.at[wid], idx_v)
    base = wid * PER_W * EMBED
    iota = lax.iota(jnp.int32, BLK)

    def chunk_body(c, carry):
        off = (c & 1) * CW


        def blk_body(r, carry2):
            abase = idx_v[pl.ds((c * BPC + r) * BLK, BLK)] * EMBED
            pbase = off + r * BLK * EMBED + iota * EMBED

            @plsc.parallel_loop(0, EMBED - BLK + 1, carry=(abase + iota,
                                                           pbase + iota),
                                unroll=16)
            def col_body(j, avpv):
                av, pv = avpv
                vals = plsc.load_gather(tab_v, [av])
                plsc.store_scatter(rv, [pv], vals)
                return av + 1, pv + 1

            @plsc.parallel_loop(0, BLK - 1, unroll=7)
            def tail_body(j):
                cw = (iota + (j + EMBED - BLK + 1)) & (EMBED - 1)
                vals = plsc.load_gather(tab_v, [abase + cw])
                plsc.store_scatter(rv, [pbase + cw], vals)
            return carry2

        lax.fori_loop(0, BPC, blk_body, 0)

        return carry

    lax.fori_loop(0, NCHUNK, chunk_body, 0)
    pltpu.async_copy(rv.at[pl.ds(0, CW)], out_hbm.at[pl.ds(base, CW)], wsem)
    pltpu.make_async_copy(rv.at[pl.ds(0, CW)], out_hbm.at[pl.ds(base, CW)], wsem).wait()


_mesh = plsc.VectorSubcoreMesh(core_axis_name="c", subcore_axis_name="s")

_sc_call = pl.kernel(
    _tec_body,
    mesh=_mesh,
    out_type=jax.ShapeDtypeStruct((N_EDGES * EMBED,), jnp.float32),
    scratch_types=[
        pltpu.VMEM((NROWS * EMBED,), jnp.float32),
        pltpu.VMEM((PER_W,), jnp.int32),
        pltpu.VMEM((2 * CW,), jnp.float32),
        pltpu.SemaphoreType.DMA,
    ],
    compiler_params=pltpu.CompilerParams(needs_layout_passes=False),
)


@jax.jit
def _run(data, table):
    idx = data.astype(jnp.int32).reshape(NW, PER_W)
    out = _sc_call(table.reshape(-1), idx)
    return out.reshape(N_EDGES, EMBED)


def kernel(data, edge_type_embedding):
    return _run(data, edge_type_embedding)

# --- scband reference (transcript-rebuilt; emitter-appended) ---
"""Pipeline reference for scband-base-edge-embedding-30623116821333 (READ-ONLY COPY).

The authoritative reference and input builder live on the scoring server;
editing this copy changes nothing except your own understanding.
"""

import jax, jax.numpy as jnp
import numpy as np
import math

EMBED_SIZE = 128
NUM_EDGE_TYPE = 16
N_EDGES = 320000

def setup_inputs(seed: int = 0) -> dict:
    key = jax.random.key(seed)
    k1, k2 = jax.random.split(key)
    data = jax.random.randint(k1, (N_EDGES,), 0, NUM_EDGE_TYPE).astype(jnp.int64)
    init_range = 6 / math.sqrt(EMBED_SIZE)
    edge_type_embedding = jax.random.uniform(
        k2, (NUM_EDGE_TYPE, EMBED_SIZE), minval=-init_range, maxval=init_range,
        dtype=jnp.float32)
    return {"data": data, "edge_type_embedding": edge_type_embedding}

def reference(data, edge_type_embedding):
    # BaseEdgeEmbedding.forward with fusion_type='concat'
    idx = data.astype(jnp.int32)
    embedding_list = [jnp.take(edge_type_embedding, idx, axis=0)]
    return jnp.concatenate(embedding_list, axis=-1)

if __name__ == "__main__":
    import jax
    _d = setup_inputs()
    print(jax.jit(kernel)(*tuple(_d.values())))

</pallas_src>

<mosaic_0001>
#map = affine_map<(d0, d1) -> (0)>
#map1 = affine_map<(d0, d1) -> (0, 0)>
module attributes {stable_mosaic.version = 14 : i64} {
  func.func @_tec_body(%arg0: i32, %arg1: i32, %arg2: memref<2048xf32, #tpu.memory_space<hbm>>, %arg3: memref<32x10000xi32, #tpu.memory_space<hbm>>, %arg4: memref<40960000xf32, #tpu.memory_space<hbm>>, %arg5: memref<2048xf32, #tpu.memory_space<vmem>>, %arg6: memref<10000xi32, #tpu.memory_space<vmem>>, %arg7: memref<20480xf32, #tpu.memory_space<vmem>>, %arg8: memref<!tpu.dma_semaphore, #tpu.memory_space<semaphore_mem>>) attributes {dimension_semantics = [#tpu.dimension_semantics<core_parallel>, #tpu.dimension_semantics<subcore_parallel>], iteration_bounds = array<i64: 2, 16>, scalar_prefetch = 0 : i64, scratch_operands = 4 : i64, tpu.core_type = #tpu.core_type<sc_vector_subcore>, window_params = [{transform_indices = #map}, {transform_indices = #map1}, {transform_indices = #map}]} {
    %mul3A = arith.constant 2 : i32
    %mul3A_0 = arith.muli %arg1, %mul3A : i32
    %add3A = arith.addi %mul3A_0, %arg0 : i32
    "tpu.region"() ({
      %run_scoped3A = tpu.sem_alloc : memref<!tpu.dma_semaphore, #tpu.memory_space<semaphore_mem>>
      tpu.enqueue_dma source(%arg2 : memref<2048xf32, #tpu.memory_space<hbm>>) target(%arg5 : memref<2048xf32, #tpu.memory_space<vmem>>) target_semaphore(%run_scoped3A : memref<!tpu.dma_semaphore, #tpu.memory_space<semaphore_mem>>)
      tpu.wait_dma2 semaphore(%run_scoped3A : memref<!tpu.dma_semaphore, #tpu.memory_space<semaphore_mem>>) src(%arg2 : memref<2048xf32, #tpu.memory_space<hbm>>) dst(%arg5 : memref<2048xf32, #tpu.memory_space<vmem>>)
      tpu.yield
    }) : () -> ()
    "tpu.region"() ({
      %run_scoped3A = tpu.sem_alloc : memref<!tpu.dma_semaphore, #tpu.memory_space<semaphore_mem>>
      %dma_start3A_20 = arith.constant 0 : i32
      %dma_start3A_21 = tpu.memref_slice %arg3[%add3A, %dma_start3A_20] : memref<32x10000xi32, #tpu.memory_space<hbm>> -> memref<1x10000xi32, #tpu.memory_space<hbm>>
      %dma_start3A_22 = tpu.memref_squeeze %dma_start3A_21 : memref<1x10000xi32, #tpu.memory_space<hbm>> -> memref<10000xi32, #tpu.memory_space<hbm>>
      %dma_start3A_23 = arith.constant 0 : i32
      %dma_start3A_24 = tpu.memref_slice %arg3[%add3A, %dma_start3A_23] : memref<32x10000xi32, #tpu.memory_space<hbm>> -> memref<1x10000xi32, #tpu.memory_space<hbm>>
      %dma_start3A_25 = tpu.memref_squeeze %dma_start3A_24 : memref<1x10000xi32, #tpu.memory_space<hbm>> -> memref<10000xi32, #tpu.memory_space<hbm>>
      tpu.enqueue_dma source(%dma_start3A_25 : memref<10000xi32, #tpu.memory_space<hbm>>) target(%arg6 : memref<10000xi32, #tpu.memory_space<vmem>>) target_semaphore(%run_scoped3A : memref<!tpu.dma_semaphore, #tpu.memory_space<semaphore_mem>>)
      %dma_wait3A_26 = arith.constant 0 : i32
      %dma_wait3A_27 = tpu.memref_slice %arg3[%add3A, %dma_wait3A_26] : memref<32x10000xi32, #tpu.memory_space<hbm>> -> memref<1x10000xi32, #tpu.memory_space<hbm>>
      %dma_wait3A_28 = tpu.memref_squeeze %dma_wait3A_27 : memref<1x10000xi32, #tpu.memory_space<hbm>> -> memref<10000xi32, #tpu.memory_space<hbm>>
      %dma_wait3A_29 = arith.constant 0 : i32
      %dma_wait3A_30 = tpu.memref_slice %arg3[%add3A, %dma_wait3A_29] : memref<32x10000xi32, #tpu.memory_space<hbm>> -> memref<1x10000xi32, #tpu.memory_space<hbm>>
      %dma_wait3A_31 = tpu.memref_squeeze %dma_wait3A_30 : memref<1x10000xi32, #tpu.memory_space<hbm>> -> memref<10000xi32, #tpu.memory_space<hbm>>
      tpu.wait_dma2 semaphore(%run_scoped3A : memref<!tpu.dma_semaphore, #tpu.memory_space<semaphore_mem>>) src(%dma_wait3A_31 : memref<10000xi32, #tpu.memory_space<hbm>>) dst(%arg6 : memref<10000xi32, #tpu.memory_space<vmem>>)
      tpu.yield
    }) : () -> ()
    %mul3A_1 = arith.constant 10000 : i32
    %mul3A_2 = arith.muli %add3A, %mul3A_1 : i32
    %mul3A_3 = arith.constant 128 : i32
    %mul3A_4 = arith.muli %mul3A_2, %mul3A_3 : i32
    %iota3A = tpu.iota {dimensions = array<i32: 0>} : vector<16xi32>
    %scan3A = arith.constant 0 : i32
    %scan3A_5 = arith.constant 0 : i32
    %scan3A_6 = arith.constant 125 : i32
    %scan3A_7 = arith.addi %scan3A_5, %scan3A_6 : i32
    %scan3A_8 = arith.constant 1 : i32
    scf.for %scan3A_20 = %scan3A_5 to %scan3A_7 step %scan3A_8  : i32 {
      %and3A = arith.constant 1 : i32
      %and3A_21 = arith.andi %scan3A_20, %and3A : i32
      %mul3A_22 = arith.constant 10240 : i32
      %mul3A_23 = arith.muli %and3A_21, %mul3A_22 : i32
      %scan3A_24 = arith.constant 0 : i32
      %scan3A_25 = arith.constant 0 : i32
      %scan3A_26 = arith.constant 5 : i32
      %scan3A_27 = arith.addi %scan3A_25, %scan3A_26 : i32
      %scan3A_28 = arith.constant 1 : i32
      scf.for %scan3A_30 = %scan3A_25 to %scan3A_27 step %scan3A_28  : i32 {
        %mul3A_31 = arith.constant 5 : i32
        %mul3A_32 = arith.muli %scan3A_20, %mul3A_31 : i32
        %add3A_33 = arith.addi %mul3A_32, %scan3A_30 : i32
        %mul3A_34 = arith.constant 16 : i32
        %mul3A_35 = arith.muli %add3A_33, %mul3A_34 : i32
        %get3A = arith.index_cast %mul3A_35 : i32 to index
        %get3A_36 = tpu.vector_load %arg6[%get3A] {strides = array<i32>} : memref<10000xi32, #tpu.memory_space<vmem>>, vector<16xi32>,
        %mul3A_37 = arith.constant 128 : i32
        %mul3A_38 = vector.broadcast %mul3A_37 : i32 to vector<16xi32>
        %mul3A_39 = arith.muli %get3A_36, %mul3A_38 : vector<16xi32>
        %mul3A_40 = arith.constant 16 : i32
        %mul3A_41 = arith.muli %scan3A_30, %mul3A_40 : i32
        %mul3A_42 = arith.constant 128 : i32
        %mul3A_43 = arith.muli %mul3A_41, %mul3A_42 : i32
        %add3A_44 = arith.addi %mul3A_23, %mul3A_43 : i32
        %mul3A_45 = arith.constant 128 : i32
        %mul3A_46 = vector.broadcast %mul3A_45 : i32 to vector<16xi32>
        %mul3A_47 = arith.muli %iota3A, %mul3A_46 : vector<16xi32>
        %add3A_48 = vector.broadcast %add3A_44 : i32 to vector<16xi32>
        %add3A_49 = arith.addi %add3A_48, %mul3A_47 : vector<16xi32>
        %add3A_50 = arith.addi %mul3A_39, %iota3A : vector<16xi32>
        %add3A_51 = arith.addi %add3A_49, %iota3A : vector<16xi32>
        %parallel_loop3A = arith.constant 0 : i32
        %parallel_loop3A_52 = arith.constant 113 : i32
        %parallel_loop3A_53 = arith.constant 1 : i32
        %parallel_loop3A_54:2 = scf.for %parallel_loop3A_58 = %parallel_loop3A to %parallel_loop3A_52 step %parallel_loop3A_53 iter_args(%parallel_loop3A_59 = %add3A_50, %parallel_loop3A_60 = %add3A_51) -> (vector<16xi32>, vector<16xi32>)  : i32 {
          %parallel_loop3A_61 = tpu.vector_load_idx %arg5[%parallel_loop3A_59] : memref<2048xf32, #tpu.memory_space<vmem>>[vector<16xi32>], vector<16xf32>,
          tpu.vector_store_idx %arg7[%parallel_loop3A_60], %parallel_loop3A_61 : memref<20480xf32, #tpu.memory_space<vmem>>[vector<16xi32>], vector<16xf32>,
          %parallel_loop3A_62 = arith.constant 1 : i32
          %parallel_loop3A_63 = vector.broadcast %parallel_loop3A_62 : i32 to vector<16xi32>
          %parallel_loop3A_64 = arith.addi %parallel_loop3A_59, %parallel_loop3A_63 : vector<16xi32>
          %parallel_loop3A_65 = arith.constant 1 : i32
          %parallel_loop3A_66 = vector.broadcast %parallel_loop3A_65 : i32 to vector<16xi32>
          %parallel_loop3A_67 = arith.addi %parallel_loop3A_60, %parallel_loop3A_66 : vector<16xi32>
          scf.yield %parallel_loop3A_64, %parallel_loop3A_67 : vector<16xi32>, vector<16xi32>
        } {sc.loop_unroll_factor = 16 : i64, sc.parallel_access}
        %parallel_loop3A_55 = arith.constant 0 : i32
        %parallel_loop3A_56 = arith.constant 15 : i32
        %parallel_loop3A_57 = arith.constant 1 : i32
        scf.for %parallel_loop3A_58 = %parallel_loop3A_55 to %parallel_loop3A_56 step %parallel_loop3A_57  : i32 {
          %parallel_loop3A_59 = arith.constant 128 : i32
          %parallel_loop3A_60 = arith.addi %parallel_loop3A_58, %parallel_loop3A_59 : i32
          %parallel_loop3A_61 = arith.constant 16 : i32
          %parallel_loop3A_62 = arith.subi %parallel_loop3A_60, %parallel_loop3A_61 : i32
          %parallel_loop3A_63 = arith.constant 1 : i32
          %parallel_loop3A_64 = arith.addi %parallel_loop3A_62, %parallel_loop3A_63 : i32
          %parallel_loop3A_65 = vector.broadcast %parallel_loop3A_64 : i32 to vector<16xi32>
          %parallel_loop3A_66 = arith.addi %iota3A, %parallel_loop3A_65 : vector<16xi32>
          %parallel_loop3A_67 = arith.constant 127 : i32
          %parallel_loop3A_68 = vector.broadcast %parallel_loop3A_67 : i32 to vector<16xi32>
          %parallel_loop3A_69 = arith.andi %parallel_loop3A_66, %parallel_loop3A_68 : vector<16xi32>
          %parallel_loop3A_70 = arith.addi %mul3A_39, %parallel_loop3A_69 : vector<16xi32>
          %parallel_loop3A_71 = tpu.vector_load_idx %arg5[%parallel_loop3A_70] : memref<2048xf32, #tpu.memory_space<vmem>>[vector<16xi32>], vector<16xf32>,
          %parallel_loop3A_72 = arith.addi %add3A_49, %parallel_loop3A_69 : vector<16xi32>
          tpu.vector_store_idx %arg7[%parallel_loop3A_72], %parallel_loop3A_71 : memref<20480xf32, #tpu.memory_space<vmem>>[vector<16xi32>], vector<16xf32>,
        } {sc.loop_unroll_factor = 7 : i64, sc.parallel_access}
      }
      %scan3A_29 = arith.constant 5 : i32
    }
    %scan3A_9 = arith.constant 125 : i32
    %dma_start3A = arith.constant 0 : i32
    %dma_start3A_10 = tpu.memref_slice %arg7[%dma_start3A] : memref<20480xf32, #tpu.memory_space<vmem>> -> memref<10240xf32, #tpu.memory_space<vmem>>
    %dma_start3A_11 = tpu.memref_slice %arg4[%mul3A_4] : memref<40960000xf32, #tpu.memory_space<hbm>> -> memref<10240xf32, #tpu.memory_space<hbm>>
    %dma_start3A_12 = tpu.memref_slice %arg4[%mul3A_4] : memref<40960000xf32, #tpu.memory_space<hbm>> -> memref<10240xf32, #tpu.memory_space<hbm>>
    %dma_start3A_13 = arith.constant 0 : i32
    %dma_start3A_14 = tpu.memref_slice %arg7[%dma_start3A_13] : memref<20480xf32, #tpu.memory_space<vmem>> -> memref<10240xf32, #tpu.memory_space<vmem>>
    tpu.enqueue_dma source(%dma_start3A_14 : memref<10240xf32, #tpu.memory_space<vmem>>) target(%dma_start3A_12 : memref<10240xf32, #tpu.memory_space<hbm>>) target_semaphore(%arg8 : memref<!tpu.dma_semaphore, #tpu.memory_space<semaphore_mem>>)
    %dma_wait3A = arith.constant 0 : i32
    %dma_wait3A_15 = tpu.memref_slice %arg7[%dma_wait3A] : memref<20480xf32, #tpu.memory_space<vmem>> -> memref<10240xf32, #tpu.memory_space<vmem>>
    %dma_wait3A_16 = tpu.memref_slice %arg4[%mul3A_4] : memref<40960000xf32, #tpu.memory_space<hbm>> -> memref<10240xf32, #tpu.memory_space<hbm>>
    %dma_wait3A_17 = tpu.memref_slice %arg4[%mul3A_4] : memref<40960000xf32, #tpu.memory_space<hbm>> -> memref<10240xf32, #tpu.memory_space<hbm>>
    %dma_wait3A_18 = arith.constant 0 : i32
    %dma_wait3A_19 = tpu.memref_slice %arg7[%dma_wait3A_18] : memref<20480xf32, #tpu.memory_space<vmem>> -> memref<10240xf32, #tpu.memory_space<vmem>>
    tpu.wait_dma2 semaphore(%arg8 : memref<!tpu.dma_semaphore, #tpu.memory_space<semaphore_mem>>) src(%dma_wait3A_19 : memref<10240xf32, #tpu.memory_space<vmem>>) dst(%dma_wait3A_17 : memref<10240xf32, #tpu.memory_space<hbm>>)
    return
  }
}

</mosaic_0001>

<sc_bundles>
// kernel: _run.3.cloned.1.call-start
scs
__scs_entry_jumppad:
0x0: {  	(pc) =	sbr.rel $0x88, $3  }
0x1: {  	(tag) =	ssettag $0x0;
	lr =	simm.s32 $0x1  }
0x2: {  	[smem:$0x3F9F] =	sst lr;
	_ =	strace $0xD0000000  }
0x3: {  	_ = 	snop  }
0x4: {  	_ = 	snop  }
0x5: {  	_ = 	snop  }
0x6: {  	_ = 	snop  }
0x7: {  	_ = 	snop  }
__scs_overlays_trampoline_lowered:
0x8: {  	[smem:$0x3FAE] =	sst s0  }
0x9: {  	[smem:$0x3FAF] =	sst s1  }
0xa: {  	[smem:$0x3FB0] =	sst s2  }
0xb: {  	[smem:$0x3FB1] =	sst s3  }
0xc: {  	[smem:$0x3FB2] =	sst s4  }
0xd: {  	[smem:$0x3FB3] =	sst s5  }
0xe: {  	[smem:$0x3FB4] =	sst s6  }
0xf: {  	[smem:$0x3FB5] =	sst s7  }
0x10: {  	[smem:$0x3FB6] =	sst s8  }
0x11: {  	[smem:$0x3FB7] =	sst s9;
	s0 =	simm.s32 @!p0 $0x0  }
0x12: {  	s1 =	sld [smem:$0x3F9D];
	s0 =	simm.s32 @p0 $0x1  }
0x13: {  	[smem:$0x3FB8] =	sst s0;
	s0 =	simm.s32 @!p1 $0x0  }
0x14: {  	s2 =	sld [smem:$0x3F9C];
	s0 =	simm.s32 @p1 $0x1  }
0x15: {  	[smem:$0x3FB9] =	sst s0;
	s0 =	simm.s32 @!p2 $0x0  }
0x16: {  	s3 =	sld [smem:$0x3FDB];
	s0 =	simm.s32 @p2 $0x1  }
0x17: {  	s4 =	simm.s32 $0x1BF5;
	[smem:$0x3FBB] =	sst s0  }
0x18: {  	s0 =	sld [smem:$0x3F9E];
	_ =	swait.ge [sflag:s4], $0x0  }
0x19: {  	s7 =	sld [smem:$0x3F9F]  }
0x1a: {  	s8 =	sadd.s32 $0xFFFFE003, lr  }
0x1b: {  	s9 =	sadd.s32 $0xFFFFFEF7, lr;
	s5 =	simm.s32 $0xFFFFFFFF;
	p2 =	slt.u32 s8, $0xFFFFF086  }
0x1c: {  	p1 =	slt.u32 s9, $0xF7A;
	s5 =	simm.s32 @!p2 $0x0  }
0x1d: {  	s5 =	simm.s32 @p1 $0x1;
	p0 =	seq.s32 s7, s2  }
0x1e: {  	s7 =	smul.u32 @!p0 $0xF7A, s2;
	p2 =	seq.s32 @!p0 s5, $0x0  }
0x1f: {  	s9 =	smul.u32 $0xF7A, s1;
	s8 =	simm.s32 @!p0 $0x1BF5;
	p2 =	por !p2, p0  }
0x20: {  	[sflag:s8] =	ssyncset.s32 @!p0 $0xFFFFF086;
	s6 =	sadd.s32 @!p0 s3, s7;
	s7 =	simm.s32 @!p0 $0x108  }
0x21: {  	s3 =	sadd.s32 s3, s9;
	s6 =	sadd.s32 @!p0 $0x88, s6;
	s7 =	simm.s32 @p2 $0x1082  }
0x22: {  	[simem:s7], [sflag:s8] =	dma.local @!p0 [hbm:s6], $0xF7A  }
0x23: {  	s9 =	sor.u32 $0xD0000000, s2;
	s6 =	simm.s32 $0x108;
	_ =	swait.ge @!p0 [sflag:s8], $0x0  }
0x24: {  	s3 =	sadd.s32 $0x88, s3;
	s6 =	simm.s32 @!p1 $0x1082;
	[sflag:s4] =	ssyncset.s32 $0xFFFFF086  }
0x25: {  	[simem:s6], [sflag:s4] =	dma.local [hbm:s3], $0xF7A  }
0x26: {  	[smem:$0x3F9F] =	sst s1;
	(tag) =	ssettag s2;
	_ =	strace s9  }
0x27: {  	s1 =	sld [smem:$0x3FAF]  }
0x28: {  	s2 =	sld [smem:$0x3FB0]  }
0x29: {  	s4 =	sld [smem:$0x3FB2]  }
0x2a: {  	p0 =	seq.s32 s5, $0x0;
	s5 =	sld [smem:$0x3FB3]  }
0x2b: {  	s6 =	sld [smem:$0x3FB4]  }
0x2c: {  	s7 =	sld [smem:$0x3FB5]  }
0x2d: {  	s3 =	simm.s32 $0x108;
	s8 =	sld [smem:$0x3FB6]  }
0x2e: {  	s3 =	simm.s32 @!p0 $0x1082;
	s9 =	sld [smem:$0x3FB7]  }
0x2f: {  	lr =	sadd.s32 s0, s3;
	s0 =	sld [smem:$0x3FAE]  }
0x30: {  	s3 =	sld [smem:$0x3FB1]  }
0x31: {  	[smem:$0x3FBA] =	sst s10  }
0x32: {  	s10 =	sld [smem:$0x3FB8];
	_ =	sdelay $0x3  }
0x33: {  	p0 =	seq.s32 s10, $0x1;
	s10 =	sld [smem:$0x3FBA];
	_ =	sdelay $0x3  }
0x34: {  	[smem:$0x3FBA] =	sst s10  }
0x35: {  	s10 =	sld [smem:$0x3FB9];
	_ =	sdelay $0x3  }
0x36: {  	p1 =	seq.s32 s10, $0x1;
	s10 =	sld [smem:$0x3FBA];
	_ =	sdelay $0x3  }
0x37: {  	[smem:$0x3FBA] =	sst s10  }
0x38: {  	s10 =	sld [smem:$0x3FBB]  }
0x39: {  	_ = 	snop;
	(pc) =	sbr.ind lr, $3  }
0x3a: {  	_ = 	snop  }
0x3b: {  	_ = 	snop  }
0x3c: {  	p2 =	seq.s32 s10, $0x1;
	s10 =	sld [smem:$0x3FBA]  }
0x3d: {  	_ =	shalt  }
0x3e: {  	_ =	shalt  }
0x3f: {  	_ =	shalt  }
0x40: {  	_ =	shalt  }
0x41: {  	_ =	shalt  }
0x42: {  	_ =	shalt  }
0x43: {  	_ =	shalt  }
0x44: {  	_ =	shalt  }
0x45: {  	_ =	shalt  }
0x46: {  	_ =	shalt  }
0x47: {  	_ =	shalt  }
0x48: {  	_ =	shalt  }
0x49: {  	_ =	shalt  }
0x4a: {  	_ =	shalt  }
0x4b: {  	_ =	shalt  }
0x4c: {  	_ =	shalt  }
0x4d: {  	_ =	shalt  }
0x4e: {  	_ =	shalt  }
0x4f: {  	_ =	shalt  }
0x50: {  	_ =	shalt  }
0x51: {  	_ =	shalt  }
0x52: {  	_ =	shalt  }
0x53: {  	_ =	shalt  }
0x54: {  	_ =	shalt  }
0x55: {  	_ =	shalt  }
0x56: {  	_ =	shalt  }
0x57: {  	_ =	shalt  }
0x58: {  	_ =	shalt  }
0x59: {  	_ =	shalt  }
0x5a: {  	_ =	shalt  }
0x5b: {  	_ =	shalt  }
0x5c: {  	_ =	shalt  }
0x5d: {  	_ =	shalt  }
0x5e: {  	_ =	shalt  }
0x5f: {  	_ =	shalt  }
0x60: {  	_ =	shalt  }
0x61: {  	_ =	shalt  }
0x62: {  	_ =	shalt  }
0x63: {  	_ =	shalt  }
0x64: {  	_ =	shalt  }
0x65: {  	_ =	shalt  }
0x66: {  	_ =	shalt  }
0x67: {  	_ =	shalt  }
0x68: {  	_ =	shalt  }
0x69: {  	_ =	shalt  }
0x6a: {  	_ =	shalt  }
0x6b: {  	_ =	shalt  }
0x6c: {  	_ =	shalt  }
0x6d: {  	_ =	shalt  }
0x6e: {  	_ =	shalt  }
0x6f: {  	_ =	shalt  }
0x70: {  	_ =	shalt  }
0x71: {  	_ =	shalt  }
0x72: {  	_ =	shalt  }
0x73: {  	_ =	shalt  }
0x74: {  	_ =	shalt  }
0x75: {  	_ =	shalt  }
0x76: {  	_ =	shalt  }
0x77: {  	_ =	shalt  }
0x78: {  	_ =	shalt  }
0x79: {  	_ =	shalt  }
0x7a: {  	_ =	shalt  }
0x7b: {  	_ =	shalt  }
0x7c: {  	_ =	shalt  }
0x7d: {  	_ =	shalt  }
0x7e: {  	_ =	shalt  }
0x7f: {  	_ =	shalt  }
0x80: {  	_ =	shalt  }
0x81: {  	_ =	shalt  }
0x82: {  	_ =	shalt  }
0x83: {  	_ =	shalt  }
0x84: {  	_ =	shalt  }
0x85: {  	_ =	shalt  }
0x86: {  	_ =	shalt  }
0x87: {  	_ =	shalt  }
.Lfunc_end0:
.L_simem_size_0:
called_computation_lowered:
.L_overlay_start_0:
0x88: {  	s2 =	sld [smem:$0x3FD9]  }
0x89: {  	s3 =	sld [smem:$0x3FFE];
	_ =	sdelay $0x1  }
0x8a: {  	s1 =	srdreg.scid  }
0x8b: {  	s0 =	sand.u32 $0x1, s1  }
0x8c: {  	s17 =	sshll.u32 s0, $0xA;
	s2 =	sadd.s32 s3, s2  }
0x8d: {  	s2 =	sadd.s32 s2, s17  }
0x8e: {  	[smem:$0x3FC6] =	sst s2  }
0x8f: {  	_ = 	snop  }
0x90: {  	s2 =	sld [smem:$0x3FC8]  }
0x91: {  	s18 =	sld [smem:$0x3FD0];
	(tm) =	ssettm $0x1  }
0x92: {  	s4 =	sld [smem:$0x3FFB];
	_ =	sdelay $0x3  }
0x93: {  	_ =	strace s4  }
0x94: {  	s4 =	sld [smem:$0x3FFC];
	_ =	sdelay $0x3  }
0x95: {  	_ =	strace s4  }
0x96: {  	s4 =	sld [smem:$0x3FFD];
	_ =	sdelay $0x3  }
0x97: {  	_ =	strace s4  }
0x98: {  	_ =	strace $0x8FFFFFFF  }
0x99: {  	s19 =	sld [smem:$0x3FDB];
	_ =	sdelay $0x1  }
0x9a: {  	s5 =	simm.s32 $_scs_section_size  }
0x9b: {  	s6 =	simm.s32 $_size__tile_overlayer_lowered;
	s7 =	simm.s32 $_tile_overlayer_lowered  }
0x9c: {  	s22 =	simm.s32 $0x1BFF;
	s21 =	sshll.u32 s7, $0x1;
	s4 =	sadd.s32 s5, s19  }
0x9d: {  	s8 =	simm.s32 $0x0;
	s20 =	sshll.u32 s6, $0x1;
	s6 =	sadd.s32 s21, s4  }
0x9e: {  	[timem:s8], [sflag:s22] =	dma.local [hbm:s6], s20  }
0x9f: {  	_ =	swait.ge [sflag:s22], s20  }
0xa0: {  	s5 =	ssub.s32 $0x0, s20;
	[sflag:s22] =	ssyncset.done $0x0  }
0xa1: {  	[sflag:s22] =	ssyncadd.s32 s5;
	_ =	sdelay $0x1  }
0xa2: {  	s23 =	simm.s32 $0x1B8B  }
0xa3: {  	_ =	swait.ge [sflag:s23], $0x1  }
0xa4: {  	[sflag:s23] =	ssyncset.done $0x0  }
0xa5: {  	s25 =	simm.s32 $0x1B8E;
	s24 =	sld [smem:$0x3FFE];
	[sflag:s23] =	ssyncadd.s32 $0xFFFFFFFF  }
0xa6: {  	s26 =	simm.s32 $execute0_lowered;
	[smem:$0x3FD2] =	sst s25  }
0xa7: {  	s6 =	sshll.u32 s26, $0x1;
	_ =	strace $0x80000046;
	[dreg:$0x1] =	wrdreg $0xFFFFFFFF  }
0xa8: {  	s28 =	simm.s32 $_size_execute0_lowered;
	s4 =	sadd.s32 s4, s6;
	[dreg:$0x0] =	wrdreg $0x0  }
0xa9: {  	s6 =	sshll.u32 s28, $0x1;
	[dreg:$0x2] =	wrdreg s4  }
0xaa: {  	[dreg:$0x3] =	wrdreg s6  }
0xab: {  	[dreg:$0x4] =	wrdreg $0xC0  }
0xac: {  	_ =	task [dreg:s8], $0x5FFFF  }
0xad: {  	[dreg:$0x1] =	wrdreg $0xFFFFFFFF  }
0xae: {  	[dreg:$0x0] =	wrdreg $0x60  }
0xaf: {  	[dreg:$0x2] =	wrdreg s2  }
0xb0: {  	[dreg:$0x3] =	wrdreg s24  }
0xb1: {  	[dreg:$0x4] =	wrdreg s18  }
0xb2: {  	[dreg:$0x5] =	wrdreg $0x9  }
0xb3: {  	_ =	task.clear_ibuf [dreg:s8], $0x6FFFF;
	_ =	strace $0x90000046  }
0xb4: {  	s29 =	simm.s32 $0x9;
	_ =	strace $0x80000048  }
0xb5: {  	_ =	swait.ge [sflag:s29], $0x1  }
0xb6: {  	[sflag:s29] =	ssyncadd.s32 $0xFFFFFFFF  }
0xb7: {  	_ =	strace $0x90000048  }
0xb8: {  	_ =	sfence  }
0xb9: {  	s30 =	sld [smem:$0x0];
	_ =	sdelay $0x2  }
0xba: {  	s31 =	sshll.u32 s1, $0xD;
	s1 =	sshrl.u32 s1, $0x2  }
0xbb: {  	s3 =	sand.u32 $0x4000, s31;
	s1 =	sadd.s32 s1, s30  }
0xbc: {  	s0 =	sor.u32 s3, s0;
	s1 =	sshll.u32 s1, $0x11  }
0xbd: {  	s0 =	sor.u32 s1, s0  }
0xbe: {  	s0 =	sadd.s32 $0x8F2B, s0  }
0xbf: {  	[sflag:s0] =	ssyncadd.remote.s32 $0x1  }
0xc0: {  	_ =	sfence.sel $0xFFFF  }
0xc1: {  	[dreg:$0x0] =	wrdreg $0xFFFFFFFF;
	(pc) =	sbr.abs _section_cstart, $3  }
0xc2: {  	[dreg:$0x1] =	wrdreg $0xFFFFFFFF  }
0xc3: {  	_ =	task.clear_ibuf [dreg:s8], $0x2FFFF;
	_ =	strace $0x9FFFFFFF  }
0xc4: {  	(tm) =	ssettm $0x7FFFFFFF  }
0xc5: {  	_ =	shalt  }
tec
execute0_lowered:
.L_overlay_start_1:
0x0: {  	(tag) =	ssettag $0x1  }
0x1: {  	v0 =	vimm.s32 $0x78E;
	vm0 =	vcmask $0x300  }
0x2: {  	vm13 =	vcmask $0x704;
	v0 =	vsel vm0, $0x7F, v0  }
0x3: {  	v1 =	vimm.s32 $0x6543A987;
	vm14 =	vcmask $0xB08;
	v0 =	vsel vm13, $0x80, v0  }
0x4: {  	vm15 =	vcmask $0xF0C;
	v2 =	vimm.s32 $0x201007F;
	v0 =	vsel vm14, $0x101, v0  }
0x5: {  	s1 =	srdreg.scid;
	vm4 =	vcmask $0x1310;
	vm5 =	vcmask $0x1714;
	s6 =	rddreg [dreg:$0x1];
	v0 =	vsel vm15, $0x182, v0  }
0x6: {  	s0 =	stileid.u32;
	vm6 =	vcmask $0x1B18;
	s8 =	rddreg [dreg:$0x2];
	v1 =	vunpack.c.l.s4.s8 v1;
	v0 =	vsel vm4, $0x203, v0  }
0x7: {  	vm7 =	vcmask $0x1F1C;
	vm1 =	vcmask $0x2F10;
	s3 =	simm.s32 $0x0;
	s10 =	simm.s32 $0x800;
	s11 =	simm.s32 $0x2F80;
	v0 =	vsel vm5, $0x284, v0  }
0x8: {  	vm8 =	vcmask $0x2320;
	s12 =	simm.s32 $0x1;
	s13 =	simm.s32 $0x0;
	s4 =	sand.u32 $0x1, s1;
	v1 =	vunpack.c.0.s8.s32 v1;
	v0 =	vsel vm6, $0x305, v0  }
0x9: {  	vm9 =	vcmask $0x2724;
	s2 =	sshll.u32 s0, $0x1;
	s1 =	rddreg [dreg:$0x0];
	s29 =	sshrl.u32 s0, $0x2;
	v2 =	vunpack.c.0.s8.s32 v2;
	v0 =	vsel vm7, $0x386, v0  }
0xa: {  	vm10 =	vcmask $0x2B28;
	[smem:$0x7FF] =	sst s3;
	s5 =	sor.u32 s4, s2;
	s7 =	smul.u32 $0x13C00, s29;
	v1 =	vand.u32 $0xF, v1;
	v0 =	vsel vm8, $0x407, v0  }
0xb: {  	s2 =	rddreg [dreg:$0x3];
	s30 =	sshll.u32 s5, $0x7;
	s5 =	smul.u32 $0x27100, s5;
	v1 =	vsel vm1, v1, v2;
	v2 =	vimm.s32 $0xE0D0C0B;
	v0 =	vsel vm9, $0x488, v0  }
.Ltmp0:
0xc: {  	vm11 =	vcmask $0x2F2C;
	s4 =	ssub.s32 $0x2, s4;
	s9 =	sand.u32 $0x380, s30;
	v2 =	vunpack.c.0.s8.s32 v2;
	v0 =	vsel vm10, $0x509, v0;
	(pc) =	sbr.rel .LBB2_1-.Ltmp0, $4  }
0xd: {  	vm12 =	vcmask $0x3F30;
	_ =	strace $0x80000047;
	vm13 =	vcmask $0x3330;
	s31 =	sshrl.u32 s4, $0x1;
	s7 =	sor.u32 s7, s9;
	v3 =	vsel vm11, $0x58A, v0  }
0xe: {  	vm14 =	vcmask $0x3734;
	s5 =	sadd.s32 s8, s5;
	s8 =	simm.s32 $0x80;
	s7 =	sshrl.u32 s7, $0x3;
	v0 =	vsel vm12, v2, v1;
	v2 =	vsel vm13, $0x60B, v3  }
0xf: {  	vm15 =	vcmask $0x3B38;
	s9 =	simm.s32 $0x400;
	s6 =	sadd.s32 s7, s6;
	s7 =	ssub.s32 s4, s31;
	v1 =	vlaneseq.u32;
	v4 =	vsel vm14, $0x68C, v2  }
0x10: {  	s4 =	sadd.s32 $0x400, s6;
	s6 =	smax.u32 s7, $0x1;
	s7 =	simm.s32 $0x2;
	v3 =	vmul.u32 $0x80, v1;
	v2 =	vmul.u32 $0x81, v1;
	v4 =	vsel vm15, $0x70D, v4  }
.LBB2_13:
0x11: {  	s13 =	sadd.s32 $0x1, s13  }
0x12: {  	p0 =	sne.s32 s13, s6  }
.Ltmp1:
0x13: {  	_ = 	snop;
	(pc) =	sbr.rel @!p0 .LBB2_14-.Ltmp1, $4  }
0x14: {  	[hbm4b:s5+s3] =	stream.linear.scatter [tilespmem:s11], [sflag:$0x1], $0x2800, $0x38;
	[tilespmem:$0x7F80] =	vst v63  }
0x15: {  	_ =	swait.ge [sflag:s12], $0x2800  }
0x16: {  	[sflag:s12] =	ssyncset.done $0x0  }
0x17: {  	[sflag:s12] =	ssyncadd.s32 $0xFFFFD800  }
.LBB2_1:
0x18: {  	[tilespmem:s3], [sflag:$0x2] =	stream.linear.gather [hbm4b:s1+s3], $0x800, $0x38;
	[tilespmem:$0x7F80] =	vst v63  }
0x19: {  	_ =	swait.ge [sflag:s7], $0x800  }
0x1a: {  	[sflag:s7] =	ssyncset.done $0x0  }
.Ltmp2:
0x1b: {  	[sflag:s7] =	ssyncadd.s32 $0xFFFFF800;
	(pc) =	sbr.rel .LBB2_2-.Ltmp2, $4  }
0x1c: {  	[tilespmem:s10], [sflag:$0x2] =	stream.strided.gather [hbm4b:s4+s8], $0x2780, s9, s8, $0x38;
	[tilespmem:$0x7F80] =	vst v63  }
0x1d: {  	_ =	swait.ge [sflag:s7], $0x2780  }
0x1e: {  	[sflag:s7] =	ssyncset.done $0x0  }
0x1f: {  	s14 =	simm.s32 $0x0;
	[sflag:s7] =	ssyncadd.s32 $0xFFFFD880  }
.LBB2_12:
0x20: {  	s14 =	sadd.s32 $0x1, s14  }
0x21: {  	p0 =	sne.s32 s14, $0x7D  }
.Ltmp3:
0x22: {  	_ = 	snop;
	(pc) =	sbr.rel @!p0 .LBB2_13-.Ltmp3, $1  }
0x23: {  	_ =	sdelay $0x3  }
.LBB2_2:
0x24: {  	s15 =	sand.u32 $0x1, s14  }
0x25: {  	p0 =	seq.s32 s15, $0x1;
	s15 =	simm.s32 $0x2800  }
0x26: {  	s16 =	smul.u32 $0x5, s14;
	s17 =	simm.s32 $0x0;
	s15 =	simm.s32 @!p0 $0x0  }
.LBB2_3:
0x27: {  	_ = 	snop  }
0x28: {  	s18 =	sadd.s32 s16, s17  }
0x29: {  	s18 =	sshll.u32 s18, $0x4  }
0x2a: {  	s18 =	sand.u32 $0x3FFFFFF0, s18  }
0x2b: {  	v5 =	vld [tilespmem:s18+$0x800];
	_ =	sdelay $0x4  }
0x2c: {  	v5 =	vshll.u32 v5, $0x7  }
0x2d: {  	v8 =	vor.u32 v1, v5  }
0x2e: {  	v6 =	vadd.s32 $0xF, v8  }
0x2f: {  	v9 =	vadd.s32 $0x1, v8  }
0x30: {  	v10 =	vadd.s32 $0x2, v8  }
0x31: {  	s31 =	sshll.u32 s17, $0xB;
	v11 =	vadd.s32 $0x3, v8  }
0x32: {  	s18 =	sadd.s32 s15, s31;
	v12 =	vadd.s32 $0x4, v8;
	v13 =	vld.idx.msk [tilespmem:v8+s3+$0x0], $0xffff  }
0x33: {  	v7 =	vor.u32 s18, v2;
	v14 =	vadd.s32 $0x5, v8;
	v15 =	vld.idx.msk [tilespmem:v6+s3+$0x0], $0xffff  }
0x34: {  	v16 =	vadd.s32 $0x6, v8;
	v17 =	vld.idx.msk [tilespmem:v9+s3+$0x0], $0xffff;
	v9 =	vadd.s32 $0xF, v7  }
0x35: {  	v19 =	vadd.s32 $0x1, v7;
	v18 =	vadd.s32 $0x7, v8;
	v25 =	vld.idx.msk [tilespmem:v10+s3+$0x0], $0xffff  }
0x36: {  	v28 =	vadd.s32 $0x2, v7;
	v27 =	vadd.s32 $0x8, v8;
	v11 =	vld.idx.msk [tilespmem:v11+s3+$0x0], $0xffff  }
0x37: {  	v30 =	vadd.s32 $0x3, v7;
	v29 =	vadd.s32 $0x9, v8;
	v31 =	vld.idx.msk [tilespmem:v12+s3+$0x0], $0xffff  }
0x38: {  	v33 =	vadd.s32 $0x4, v7;
	v22 =	vadd.s32 $0x5, v7;
	v32 =	vadd.s32 $0xA, v8;
	v23 =	vld.idx.msk [tilespmem:v14+s3+$0x0], $0xffff;
	[tilespmem:v7+s11+$0x0] =	vst.idx.msk $0xffff, v13  }
0x39: {  	v21 =	vadd.s32 $0x6, v7;
	v20 =	vadd.s32 $0x7, v7;
	v24 =	vld.idx.msk [tilespmem:v16+s3+$0x0], $0xffff;
	v13 =	vadd.s32 $0xB, v8;
	[tilespmem:v9+s11+$0x0] =	vst.idx.msk $0xffff, v15  }
0x3a: {  	v6 =	vmov s18;
	v12 =	vadd.s32 $0xC, v8;
	v10 =	vadd.s32 $0xD, v8;
	v26 =	vld.idx.msk [tilespmem:v18+s3+$0x0], $0xffff;
	[tilespmem:v19+s11+$0x0] =	vst.idx.msk $0xffff, v17  }
0x3b: {  	v27 =	vld.idx.msk [tilespmem:v27+s3+$0x0], $0xffff;
	v18 =	vadd.s32 $0xA, v7;
	v16 =	vadd.s32 $0xB, v7;
	v14 =	vadd.s32 $0xD, v7;
	[tilespmem:v28+s11+$0x0] =	vst.idx.msk $0xffff, v25  }
0x3c: {  	v9 =	vadd.s32 $0xE, v8;
	v19 =	vadd.s32 $0x8, v7;
	v17 =	vadd.s32 $0x9, v7;
	[tilespmem:v30+s11+$0x0] =	vst.idx.msk $0xffff, v11;
	v25 =	vld.idx.msk [tilespmem:v29+s3+$0x0], $0xffff  }
0x3d: {  	s18 =	simm.s32 $0x0;
	v15 =	vadd.s32 $0xC, v7;
	v11 =	vadd.s32 $0xE, v7;
	[tilespmem:v33+s11+$0x0] =	vst.idx.msk $0xffff, v31;
	v28 =	vld.idx.msk [tilespmem:v32+s3+$0x0], $0xffff;
	v8 =	vadd.s32 $0x10, v8  }
.LBB2_4:
0x3e: {  	v29 =	vadd.s32 $0x1, v8;
	v30 =	vadd.s32 $0x2, v8;
	v31 =	vadd.s32 $0xF, v8;
	s18 =	sadd.s32 $0x10, s18;
	[tilespmem:v22+s11+$0x0] =	vst.idx.msk $0xffff, v23;
	v22 =	vld.idx.msk [tilespmem:v13+s3+$0x0], $0xffff  }
0x3f: {  	v23 =	vadd.s32 $0x3, v8;
	v32 =	vadd.s32 $0x4, v8;
	v33 =	vadd.s32 $0x5, v8;
	p0 =	slt.u32 s18, $0x60;
	[tilespmem:v21+s11+$0x0] =	vst.idx.msk $0xffff, v24;
	v21 =	vld.idx.msk [tilespmem:v12+s3+$0x0], $0xffff  }
0x40: {  	v34 =	vadd.s32 $0x7, v8;
	v35 =	vadd.s32 $0x8, v8;
	v24 =	vadd.s32 $0x6, v8;
	[tilespmem:v20+s11+$0x0] =	vst.idx.msk $0xffff, v26;
	v26 =	vld.idx.msk [tilespmem:v10+s3+$0x0], $0xffff  }
0x41: {  	v36 =	vadd.s32 $0x9, v8;
	v37 =	vadd.s32 $0xA, v8;
	v13 =	vadd.s32 $0xB, v8;
	[tilespmem:v19+s11+$0x0] =	vst.idx.msk $0xffff, v27;
	v27 =	vld.idx.msk [tilespmem:v9+s3+$0x0], $0xffff  }
0x42: {  	v12 =	vadd.s32 $0xC, v8;
	v10 =	vadd.s32 $0xD, v8;
	v9 =	vadd.s32 $0xE, v8;
	v38 =	vld.idx.msk [tilespmem:v8+s3+$0x0], $0xffff;
	[tilespmem:v17+s11+$0x0] =	vst.idx.msk $0xffff, v25  }
0x43: {  	v7 =	vadd.s32 $0x10, v7;
	v25 =	vld.idx.msk [tilespmem:v31+s3+$0x0], $0xffff;
	[tilespmem:v18+s11+$0x0] =	vst.idx.msk $0xffff, v28  }
0x44: {  	v39 =	vadd.s32 $0xF, v7;
	v28 =	vadd.s32 $0x1, v7;
	v31 =	vadd.s32 $0x2, v7;
	v29 =	vld.idx.msk [tilespmem:v29+s3+$0x0], $0xffff;
	[tilespmem:v16+s11+$0x0] =	vst.idx.msk $0xffff, v22  }
0x45: {  	v40 =	vadd.s32 $0x3, v7;
	v41 =	vadd.s32 $0x4, v7;
	v22 =	vadd.s32 $0x5, v7;
	v30 =	vld.idx.msk [tilespmem:v30+s3+$0x0], $0xffff;
	[tilespmem:v15+s11+$0x0] =	vst.idx.msk $0xffff, v21  }
0x46: {  	v20 =	vadd.s32 $0x7, v7;
	v19 =	vadd.s32 $0x8, v7;
	v21 =	vadd.s32 $0x6, v7;
	v42 =	vld.idx.msk [tilespmem:v23+s3+$0x0], $0xffff;
	[tilespmem:v14+s11+$0x0] =	vst.idx.msk $0xffff, v26  }
0x47: {  	v17 =	vadd.s32 $0x9, v7;
	v18 =	vadd.s32 $0xA, v7;
	v16 =	vadd.s32 $0xB, v7;
	v32 =	vld.idx.msk [tilespmem:v32+s3+$0x0], $0xffff;
	[tilespmem:v11+s11+$0x0] =	vst.idx.msk $0xffff, v27  }
0x48: {  	v15 =	vadd.s32 $0xC, v7;
	v14 =	vadd.s32 $0xD, v7;
	v11 =	vadd.s32 $0xE, v7;
	[tilespmem:v7+s11+$0x0] =	vst.idx.msk $0xffff, v38;
	v23 =	vld.idx.msk [tilespmem:v33+s3+$0x0], $0xffff  }
.Ltmp4:
0x49: {  	v24 =	vld.idx.msk [tilespmem:v24+s3+$0x0], $0xffff;
	[tilespmem:v39+s11+$0x0] =	vst.idx.msk $0xffff, v25;
	(pc) =	sbr.rel @p0 .LBB2_4-.Ltmp4, $4  }
0x4a: {  	[tilespmem:v28+s11+$0x0] =	vst.idx.msk $0xffff, v29;
	v26 =	vld.idx.msk [tilespmem:v34+s3+$0x0], $0xffff  }
0x4b: {  	[tilespmem:v31+s11+$0x0] =	vst.idx.msk $0xffff, v30;
	v27 =	vld.idx.msk [tilespmem:v35+s3+$0x0], $0xffff  }
0x4c: {  	[tilespmem:v40+s11+$0x0] =	vst.idx.msk $0xffff, v42;
	v25 =	vld.idx.msk [tilespmem:v36+s3+$0x0], $0xffff  }
0x4d: {  	v8 =	vadd.s32 $0x10, v8;
	[tilespmem:v41+s11+$0x0] =	vst.idx.msk $0xffff, v32;
	v28 =	vld.idx.msk [tilespmem:v37+s3+$0x0], $0xffff  }
0x4e: {  	_ =	sdelay $0x3  }
0x4f: {  	[tilespmem:v22+s11+$0x0] =	vst.idx.msk $0xffff, v23  }
0x50: {  	[tilespmem:v21+s11+$0x0] =	vst.idx.msk $0xffff, v24;
	v12 =	vld.idx.msk [tilespmem:v12+s3+$0x0], $0xffff  }
0x51: {  	v10 =	vld.idx.msk [tilespmem:v10+s3+$0x0], $0xffff;
	[tilespmem:v20+s11+$0x0] =	vst.idx.msk $0xffff, v26  }
0x52: {  	v9 =	vld.idx.msk [tilespmem:v9+s3+$0x0], $0xffff;
	[tilespmem:v19+s11+$0x0] =	vst.idx.msk $0xffff, v27  }
0x53: {  	v13 =	vld.idx.msk [tilespmem:v13+s3+$0x0], $0xffff;
	[tilespmem:v17+s11+$0x0] =	vst.idx.msk $0xffff, v25  }
0x54: {  	[tilespmem:v18+s11+$0x0] =	vst.idx.msk $0xffff, v28  }
0x55: {  	[tilespmem:v15+s11+$0x0] =	vst.idx.msk $0xffff, v12  }
0x56: {  	s18 =	simm.s32 $0x71;
	s19 =	simm.s32 $0x72;
	v12 =	vadd.s32 $0x10, v7;
	[tilespmem:v14+s11+$0x0] =	vst.idx.msk $0xffff, v10  }
0x57: {  	s20 =	simm.s32 $0x73;
	s28 =	simm.s32 $0x74;
	s29 =	simm.s32 $0x75;
	[tilespmem:v11+s11+$0x0] =	vst.idx.msk $0xffff, v9;
	v7 =	vor.u32 v3, v6;
	v9 =	vadd.s32 s18, v1;
	v10 =	vadd.s32 s19, v1  }
0x58: {  	s30 =	simm.s32 $0x76;
	s31 =	simm.s32 $0x77;
	[tilespmem:v16+s11+$0x0] =	vst.idx.msk $0xffff, v13;
	v13 =	vadd.s32 s20, v1;
	v11 =	vadd.s32 s28, v1;
	v14 =	vadd.s32 s29, v1  }
0x59: {  	v15 =	vadd.s32 s30, v1;
	v16 =	vadd.s32 s31, v1;
	v8 =	vld.idx.msk [tilespmem:v8+s3+$0x0], $0xffff;
	v11 =	vand.u32 $0x7F, v11  }
0x5a: {  	p1 =	por $0x1, $0x1;
	v9 =	vand.u32 $0x7F, v9;
	v18 =	vand.u32 $0x7F, v10;
	v20 =	vor.u32 v5, v11  }
.Ltmp5:
0x5b: {  	v21 =	vand.u32 $0x7F, v14;
	v22 =	vand.u32 $0x7F, v15;
	v10 =	vand.u32 $0x7F, v16;
	(pc) =	sbr.rel @!p1 .LBB2_6-.Ltmp5, $4  }
0x5c: {  	v30 =	vor.u32 v7, v11;
	v19 =	vor.u32 v5, v9;
	v17 =	vor.u32 v5, v21  }
0x5d: {  	v14 =	vor.u32 v5, v22;
	v11 =	vor.u32 v5, v18;
	v9 =	vor.u32 v7, v9  }
0x5e: {  	v13 =	vand.u32 $0x7F, v13;
	v31 =	vor.u32 v7, v21;
	[tilespmem:v12+s11+$0x0] =	vst.idx.msk $0xffff, v8;
	v8 =	vor.u32 v7, v10  }
0x5f: {  	p0 =	por $0x0, $0x0;
	v12 =	vor.u32 v5, v13;
	v10 =	vor.u32 v5, v10;
	v13 =	vor.u32 v7, v13;
	v20 =	vld.idx.msk [tilespmem:v20+s3+$0x0], $0xffff  }
0x60: {  	_ =	sdelay $0x1  }
0x61: {  	s18 =	simm.s32 $0x78;
	s19 =	simm.s32 $0x79;
	s20 =	simm.s32 $0x7A;
	v15 =	vor.u32 v7, v18;
	v16 =	vor.u32 v7, v22  }
0x62: {  	s28 =	simm.s32 $0x7B;
	s29 =	simm.s32 $0x7C;
	v18 =	vadd.s32 s18, v1;
	v22 =	vadd.s32 s19, v1;
	v27 =	vadd.s32 s20, v1  }
0x63: {  	s30 =	simm.s32 $0x7D;
	s31 =	simm.s32 $0x7E;
	v21 =	vld.idx.msk [tilespmem:v19+s3+$0x0], $0xffff;
	v23 =	vadd.s32 s29, v1;
	v28 =	vand.u32 $0x7F, v18;
	v18 =	vadd.s32 s28, v1  }
0x64: {  	v33 =	vld.idx.msk [tilespmem:v17+s3+$0x0], $0xffff;
	v25 =	vadd.s32 s30, v1;
	v29 =	vadd.s32 s31, v1;
	v19 =	vand.u32 $0x7F, v18  }
0x65: {  	v26 =	vld.idx.msk [tilespmem:v14+s3+$0x0], $0xffff;
	p1 =	por $0x0, $0x0;
	v35 =	vand.u32 $0x7F, v23;
	v29 =	vand.u32 $0x7F, v29;
	v34 =	vor.u32 v5, v19  }
.Ltmp6:
0x66: {  	v23 =	vld.idx.msk [tilespmem:v12+s3+$0x0], $0xffff;
	v18 =	vand.u32 $0x7F, v22;
	v22 =	vand.u32 $0x7F, v25;
	v17 =	vor.u32 v5, v35;
	(pc) =	sbr.rel @!p1 .LBB2_8-.Ltmp6, $4  }
0x67: {  	v25 =	vld.idx.msk [tilespmem:v11+s3+$0x0], $0xffff;
	v32 =	vor.u32 v7, v28;
	v24 =	vor.u32 v7, v19;
	v19 =	vor.u32 v5, v28  }
0x68: {  	[tilespmem:v30+s11+$0x0] =	vst.idx.msk $0xffff, v20;
	v14 =	vor.u32 v5, v22;
	v11 =	vor.u32 v5, v18;
	v20 =	vand.u32 $0x7F, v27  }
0x69: {  	v30 =	vor.u32 v7, v29;
	v27 =	vld.idx.msk [tilespmem:v10+s3+$0x0], $0xffff;
	v10 =	vor.u32 v5, v29;
	v28 =	vor.u32 v7, v35  }
0x6a: {  	p0 =	por $0x1, $0x1;
	s18 =	simm.s32 $0x7;
	v12 =	vor.u32 v5, v20;
	v29 =	vor.u32 v7, v20;
	[tilespmem:v31+s11+$0x0] =	vst.idx.msk $0xffff, v33;
	v20 =	vld.idx.msk [tilespmem:v34+s3+$0x0], $0xffff  }
.LBB2_9:
0x6b: {  	s20 =	sadd.s32 $0x79, s18  }
0x6c: {  	s19 =	sadd.s32 $0x78, s18;
	s21 =	sadd.s32 $0x7A, s18;
	v18 =	vor.u32 v7, v18;
	[tilespmem:v16+s11+$0x0] =	vst.idx.msk $0xffff, v26;
	v16 =	vor.u32 v7, v22;
	v26 =	vadd.s32 s20, v1;
	s20 =	sadd.s32 $0x7C, s18  }
0x6d: {  	v22 =	vadd.s32 s19, v1;
	v31 =	vadd.s32 s21, v1;
	s19 =	sadd.s32 $0x7B, s18;
	s21 =	sadd.s32 $0x7D, s18;
	[tilespmem:v9+s11+$0x0] =	vst.idx.msk $0xffff, v21;
	v9 =	vmovc v32;
	v33 =	vadd.s32 s20, v1;
	s20 =	smov.u32 s18  }
0x6e: {  	v32 =	vand.u32 $0x7F, v22;
	v22 =	vadd.s32 s19, v1;
	s19 =	sadd.s32 $0x7E, s18;
	v21 =	vld.idx.msk [tilespmem:v19+s3+$0x0], $0xffff;
	[tilespmem:v15+s11+$0x0] =	vst.idx.msk $0xffff, v25;
	v15 =	vmov v18;
	s20 =	sadd.s32 $0x7, s18  }
0x6f: {  	v19 =	vand.u32 $0x7F, v22;
	v22 =	vadd.s32 s21, v1;
	v25 =	vadd.s32 s19, v1;
	p1 =	slt.u32 s20, s18;
	v34 =	vld.idx.msk [tilespmem:v17+s3+$0x0], $0xffff;
	[tilespmem:v8+s11+$0x0] =	vst.idx.msk $0xffff, v27;
	v8 =	vmovc v30  }
0x70: {  	v18 =	vand.u32 $0x7F, v26;
	v33 =	vand.u32 $0x7F, v33;
	v35 =	vor.u32 v5, v19;
	v26 =	vld.idx.msk [tilespmem:v14+s3+$0x0], $0xffff;
	[tilespmem:v13+s11+$0x0] =	vst.idx.msk $0xffff, v23  }
.Ltmp7:
0x71: {  	v22 =	vand.u32 $0x7F, v22;
	v36 =	vand.u32 $0x7F, v25;
	v25 =	vld.idx.msk [tilespmem:v11+s3+$0x0], $0xffff;
	[tilespmem:v24+s11+$0x0] =	vst.idx.msk $0xffff, v20;
	v24 =	vor.u32 v7, v19;
	(pc) =	sbr.rel @p1 .LBB2_9-.Ltmp7, $4  }
0x72: {  	v17 =	vor.u32 v5, v33;
	v14 =	vor.u32 v5, v22;
	v19 =	vor.u32 v5, v32;
	v23 =	vld.idx.msk [tilespmem:v12+s3+$0x0], $0xffff  }
0x73: {  	v30 =	vor.u32 v7, v36;
	v13 =	vmovc v29;
	v11 =	vor.u32 v5, v18;
	v20 =	vand.u32 $0x7F, v31;
	v27 =	vld.idx.msk [tilespmem:v10+s3+$0x0], $0xffff  }
0x74: {  	v32 =	vor.u32 v7, v32;
	v12 =	vor.u32 v5, v20;
	v10 =	vor.u32 v5, v36  }
0x75: {  	s18 =	smov.u32 s20;
	v29 =	vor.u32 v7, v20;
	v20 =	vld.idx.msk [tilespmem:v35+s3+$0x0], $0xffff;
	[tilespmem:v28+s11+$0x0] =	vst.idx.msk $0xffff, v34;
	v28 =	vor.u32 v7, v33  }
0x76: {  	v33 =	vmov v9;
	v34 =	vmov v8;
	v35 =	vmov v13  }
0x77: {  	v9 =	vmovc v32;
	v8 =	vmovc v30;
	v30 =	vmov v24;
	v13 =	vmov v29;
	v31 =	vmov v28  }
.LBB2_11:
0x78: {  	_ =	sdelay $0x3  }
0x79: {  	[tilespmem:v16+s11+$0x0] =	vst.idx.msk @p0 $0xffff, v26  }
0x7a: {  	[tilespmem:v33+s11+$0x0] =	vst.idx.msk @p0 $0xffff, v21;
	v61 =	vld.idx.msk [tilespmem:v17+s3+$0x0], $0xffff  }
0x7b: {  	v62 =	vor.u32 v7, v22;
	[tilespmem:v15+s11+$0x0] =	vst.idx.msk @p0 $0xffff, v25;
	v14 =	vld.idx.msk [tilespmem:v14+s3+$0x0], $0xffff  }
0x7c: {  	v63 =	vld.idx.msk [tilespmem:v19+s3+$0x0], $0xffff;
	[tilespmem:v34+s11+$0x0] =	vst.idx.msk @p0 $0xffff, v27  }
0x7d: {  	v7 =	vor.u32 v7, v18;
	[tilespmem:v35+s11+$0x0] =	vst.idx.msk @p0 $0xffff, v23;
	v11 =	vld.idx.msk [tilespmem:v11+s3+$0x0], $0xffff  }
0x7e: {  	v10 =	vld.idx.msk [tilespmem:v10+s3+$0x0], $0xffff;
	[tilespmem:v30+s11+$0x0] =	vst.idx.msk $0xffff, v20  }
0x7f: {  	v12 =	vld.idx.msk [tilespmem:v12+s3+$0x0], $0xffff;
	[tilespmem:v31+s11+$0x0] =	vst.idx.msk $0xffff, v61  }
0x80: {  	v5 =	vor.u32 v0, v5;
	[tilespmem:v62+s11+$0x0] =	vst.idx.msk $0xffff, v14  }
0x81: {  	[tilespmem:v9+s11+$0x0] =	vst.idx.msk $0xffff, v63  }
0x82: {  	[tilespmem:v7+s11+$0x0] =	vst.idx.msk $0xffff, v11  }
0x83: {  	[tilespmem:v8+s11+$0x0] =	vst.idx.msk $0xffff, v10  }
0x84: {  	s17 =	sadd.s32 $0x1, s17;
	[tilespmem:v13+s11+$0x0] =	vst.idx.msk $0xffff, v12  }
0x85: {  	v6 =	vor.u32 v4, v6;
	p0 =	sne.s32 s17, $0x5;
	v5 =	vld.idx.msk [tilespmem:v5+s3+$0x0], $0xffff  }
.Ltmp8:
0x86: {  	_ = 	snop;
	(pc) =	sbr.rel @p0 .LBB2_3-.Ltmp8, $4  }
.Ltmp9:
0x87: {  	_ = 	snop;
	(pc) =	sbr.rel @!p0 .LBB2_12-.Ltmp9, $4  }
0x88: {  	_ = 	snop  }
0x89: {  	_ = 	snop  }
0x8a: {  	[tilespmem:v6+s11+$0x0] =	vst.idx.msk $0xffff, v5  }
0x8b: {  	_ = 	snop  }
.LBB2_6:
.Ltmp10:
0x8c: {  	(pc) =	sbr.rel .LBB2_11-.Ltmp10, $2  }
0x8d: {  	_ =	sdelay $0x2  }
0x8e: {  	_ = 	snop  }
.LBB2_8:
.Ltmp11:
0x8f: {  	(pc) =	sbr.rel .LBB2_11-.Ltmp11, $3  }
0x90: {  	_ =	sdelay $0x1  }
0x91: {  	v33 =	vmov v9;
	v34 =	vmov v8;
	v35 =	vmov v13  }
0x92: {  	v9 =	vmovc v32;
	v8 =	vmovc v30;
	v30 =	vmov v24;
	v13 =	vmov v29;
	v31 =	vmov v28  }
.LBB2_14:
0x93: {  	_ =	sfence.sel $0x180000  }
0x94: {  	[bflag:$0x0] =	sbarrier.arrive $0xFFFF  }
0x95: {  	p0 =	sne.s32 s0, $0x0;
	_ =	strace $0x90000047  }
0x96: {  	s0 =	sadd.s32 @!p0 $0x100000, s2;
	[bflag:$0x2] =	sbarrier.arrive $0xFFFF  }
0x97: {  	[sflag:s0] =	ssyncadd.tile.s32 @!p0 $0x1;
	_ =	shalt  }
.Lfunc_end2:
_tile_overlayer_lowered:
.L_overlay_start_2:
0x98: {  	(tag) =	ssettag $0x2  }
0x99: {  	s0 =	rddreg [dreg:$0x0];
	s2 =	stileid.u32  }
0x9a: {  	s1 =	rddreg [dreg:$0x1];
	p0 =	sne.s32 s2, $0x0  }
0x9b: {  	s3 =	rddreg [dreg:$0x2];
	[bflag:$0x3] =	sbarrier.arrive $0xFFFF;
	s2 =	simm.s32 @!p0 $0x1C02  }
0x9c: {  	[timem:s3], [sflag:s2] =	dma.local @!p0 [hbm:s0], s1  }
0x9d: {  	s0 =	simm.s32 @!p0 $0x2  }
0x9e: {  	_ =	swait.ge @!p0 [sflag:s0], s1  }
0x9f: {  	s1 =	ssub.s32 @!p0 $0x0, s1;
	[sflag:s0] =	ssyncset.done @!p0 $0x0  }
0xa0: {  	[sflag:s0] =	ssyncadd.s32 @!p0 s1  }
0xa1: {  	[bflag:$0x3] =	sbarrier.arrive $0xFFFF  }
0xa2: {  	_ =	shalt  }

</sc_bundles>
